<compile_context>
chip_gen: v7x
topology: tpu7x:2x2x1
jax: 0.10.2.dev20260603
libtpu: 0.0.44.dev20260713+nightly
codegen_flags: <defaults>
</compile_context>

<pallas_src>
import functools

import jax
import jax.numpy as jnp
import numpy as np
from jax import lax
from jax.experimental import pallas as pl
from jax.experimental.pallas import tpu as pltpu
from jax.experimental.pallas import tpu_sc as plsc

_NUM_FIELDS = 26
_FIELD_DIM = 100000
_B = 16384
_NC = 2
_NS = 16
_NW = _NC * _NS
_BPW = _B // _NW
_SLAB = _NUM_FIELDS * _BPW
_L = 16

_OFFSETS = np.arange(_NUM_FIELDS, dtype=np.int32) * _FIELD_DIM


def _tec_body(x_hbm, w_hbm, out_hbm, idx_v, val_v, acc_v, sem, sem2):
    wid = lax.axis_index("s") * _NC + lax.axis_index("c")
    base = wid * _BPW

    pltpu.sync_copy(x_hbm.at[wid], idx_v)

    h = _SLAB // 2
    cp0 = pltpu.make_async_copy(
        w_hbm.at[idx_v.at[pl.ds(0, h)]], val_v.at[pl.ds(0, h)], sem
    )
    cp1 = pltpu.make_async_copy(
        w_hbm.at[idx_v.at[pl.ds(h, h)]], val_v.at[pl.ds(h, h)], sem2
    )
    cp0.start()
    cp1.start()
    cp0.wait()
    cp1.wait()

    def _red(c, carry):
        acc = val_v[pl.ds(c * _L, _L)]
        for f in range(1, _NUM_FIELDS):
            acc = acc + val_v[pl.ds(f * _BPW + c * _L, _L)]
        acc_v[pl.ds(c * _L, _L)] = acc
        return carry

    lax.fori_loop(0, _BPW // _L, _red, 0)

    pltpu.sync_copy(acc_v, out_hbm.at[pl.ds(base, _BPW)])


_lookup = functools.partial(
    pl.kernel,
    out_type=jax.ShapeDtypeStruct((_B,), jnp.float32),
    mesh=plsc.VectorSubcoreMesh(
        core_axis_name="c", subcore_axis_name="s", num_cores=_NC
    ),
    scratch_types=[
        pltpu.VMEM((_SLAB,), jnp.int32),
        pltpu.VMEM((_SLAB,), jnp.float32),
        pltpu.VMEM((_BPW,), jnp.float32),
        pltpu.SemaphoreType.DMA,
        pltpu.SemaphoreType.DMA,
    ],
)(_tec_body)


@jax.jit
def kernel(x, W, bias):
    xt = (
        (x + jnp.asarray(_OFFSETS)[None, :])
        .T.reshape(_NUM_FIELDS, _NW, _BPW)
        .transpose(1, 0, 2)
        .reshape(_NW, _SLAB)
    )
    out = _lookup(xt, W.reshape(-1))
    return out[:, None] + bias[None, :]

# --- scband reference (transcript-rebuilt; emitter-appended) ---
"""Pipeline reference for scband-features-linear-15461882266235 (READ-ONLY COPY).

The authoritative reference and input builder live on the scoring server;
editing this copy changes nothing except your own understanding.
"""

import jax, jax.numpy as jnp
import numpy as np

FIELD_DIMS = [100000] * 26
OFFSETS = np.array((0, *np.cumsum(FIELD_DIMS)[:-1]), dtype=np.int32)
TOTAL = int(sum(FIELD_DIMS))


def setup_inputs(seed: int = 0) -> dict:
    key = jax.random.key(seed)
    k1, k2 = jax.random.split(key, 2)
    x = jax.random.randint(k1, (16384, 26), 0, 100000, dtype=jnp.int32)
    # xavier_uniform for weight of shape (TOTAL, 1): bound = sqrt(6/(fan_in+fan_out))
    bound = float(np.sqrt(6.0 / (TOTAL + 1)))
    W = jax.random.uniform(k2, (TOTAL, 1), dtype=jnp.float32, minval=-bound, maxval=bound)
    bias = jnp.zeros((1,), dtype=jnp.float32)
    return {"x": x, "W": W, "bias": bias}


def reference(x, W, bias):
    # x: int[B, num_fields]; add per-field offsets to index the concatenated table
    idx = x + jnp.asarray(OFFSETS, dtype=x.dtype)[None, :]
    emb = jnp.take(W, idx, axis=0)            # [B, num_fields, 1]
    out = jnp.sum(emb, axis=1) + bias          # [B, 1]
    return out

if __name__ == "__main__":
    import jax
    _d = setup_inputs()
    print(jax.jit(kernel)(*tuple(_d.values())))

</pallas_src>

<mosaic_0001>
#map = affine_map<(d0, d1) -> (0, 0)>
#map1 = affine_map<(d0, d1) -> (0)>
module attributes {stable_mosaic.version = 14 : i64} {
  func.func @_tec_body(%arg0: i32, %arg1: i32, %arg2: memref<32x13312xi32, #tpu.memory_space<hbm>>, %arg3: memref<2600000xf32, #tpu.memory_space<hbm>>, %arg4: memref<16384xf32, #tpu.memory_space<hbm>>, %arg5: memref<13312xi32, #tpu.memory_space<vmem>>, %arg6: memref<13312xf32, #tpu.memory_space<vmem>>, %arg7: memref<512xf32, #tpu.memory_space<vmem>>, %arg8: memref<!tpu.dma_semaphore, #tpu.memory_space<semaphore_mem>>, %arg9: memref<!tpu.dma_semaphore, #tpu.memory_space<semaphore_mem>>) attributes {dimension_semantics = [#tpu.dimension_semantics<core_parallel>, #tpu.dimension_semantics<subcore_parallel>], iteration_bounds = array<i64: 2, 16>, scalar_prefetch = 0 : i64, scratch_operands = 5 : i64, tpu.core_type = #tpu.core_type<sc_vector_subcore>, window_params = [{transform_indices = #map}, {transform_indices = #map1}, {transform_indices = #map1}]} {
    %mul3A = arith.constant 2 : i32
    %mul3A_0 = arith.muli %arg1, %mul3A : i32
    %add3A = arith.addi %mul3A_0, %arg0 : i32
    %mul3A_1 = arith.constant 512 : i32
    %mul3A_2 = arith.muli %add3A, %mul3A_1 : i32
    "tpu.region"() ({
      %run_scoped3A = tpu.sem_alloc : memref<!tpu.dma_semaphore, #tpu.memory_space<semaphore_mem>>
      %dma_start3A_30 = arith.constant 0 : i32
      %dma_start3A_31 = tpu.memref_slice %arg2[%add3A, %dma_start3A_30] : memref<32x13312xi32, #tpu.memory_space<hbm>> -> memref<1x13312xi32, #tpu.memory_space<hbm>>
      %dma_start3A_32 = tpu.memref_squeeze %dma_start3A_31 : memref<1x13312xi32, #tpu.memory_space<hbm>> -> memref<13312xi32, #tpu.memory_space<hbm>>
      %dma_start3A_33 = arith.constant 0 : i32
      %dma_start3A_34 = tpu.memref_slice %arg2[%add3A, %dma_start3A_33] : memref<32x13312xi32, #tpu.memory_space<hbm>> -> memref<1x13312xi32, #tpu.memory_space<hbm>>
      %dma_start3A_35 = tpu.memref_squeeze %dma_start3A_34 : memref<1x13312xi32, #tpu.memory_space<hbm>> -> memref<13312xi32, #tpu.memory_space<hbm>>
      tpu.enqueue_dma source(%dma_start3A_35 : memref<13312xi32, #tpu.memory_space<hbm>>) target(%arg5 : memref<13312xi32, #tpu.memory_space<vmem>>) target_semaphore(%run_scoped3A : memref<!tpu.dma_semaphore, #tpu.memory_space<semaphore_mem>>)
      %dma_wait3A_36 = arith.constant 0 : i32
      %dma_wait3A_37 = tpu.memref_slice %arg2[%add3A, %dma_wait3A_36] : memref<32x13312xi32, #tpu.memory_space<hbm>> -> memref<1x13312xi32, #tpu.memory_space<hbm>>
      %dma_wait3A_38 = tpu.memref_squeeze %dma_wait3A_37 : memref<1x13312xi32, #tpu.memory_space<hbm>> -> memref<13312xi32, #tpu.memory_space<hbm>>
      %dma_wait3A_39 = arith.constant 0 : i32
      %dma_wait3A_40 = tpu.memref_slice %arg2[%add3A, %dma_wait3A_39] : memref<32x13312xi32, #tpu.memory_space<hbm>> -> memref<1x13312xi32, #tpu.memory_space<hbm>>
      %dma_wait3A_41 = tpu.memref_squeeze %dma_wait3A_40 : memref<1x13312xi32, #tpu.memory_space<hbm>> -> memref<13312xi32, #tpu.memory_space<hbm>>
      tpu.wait_dma2 semaphore(%run_scoped3A : memref<!tpu.dma_semaphore, #tpu.memory_space<semaphore_mem>>) src(%dma_wait3A_41 : memref<13312xi32, #tpu.memory_space<hbm>>) dst(%arg5 : memref<13312xi32, #tpu.memory_space<vmem>>)
      tpu.yield
    }) : () -> ()
    %dma_start3A = arith.constant 0 : i32
    %dma_start3A_3 = tpu.memref_slice %arg6[%dma_start3A] : memref<13312xf32, #tpu.memory_space<vmem>> -> memref<6656xf32, #tpu.memory_space<vmem>>
    %dma_start3A_4 = arith.constant 0 : i32
    %dma_start3A_5 = tpu.memref_slice %arg5[%dma_start3A_4] : memref<13312xi32, #tpu.memory_space<vmem>> -> memref<6656xi32, #tpu.memory_space<vmem>>
    %dma_start3A_6 = arith.constant 0 : i32
    %dma_start3A_7 = tpu.memref_slice %arg3[%dma_start3A_6] : memref<2600000xf32, #tpu.memory_space<hbm>> -> memref<2600000xf32, #tpu.memory_space<hbm>>
    tpu.enqueue_indirect_dma source(%dma_start3A_7 : memref<2600000xf32, #tpu.memory_space<hbm>>) target(%dma_start3A_3 : memref<6656xf32, #tpu.memory_space<vmem>>) offsets(%dma_start3A_5 : memref<6656xi32, #tpu.memory_space<vmem>>) semaphore(%arg8 : memref<!tpu.dma_semaphore, #tpu.memory_space<semaphore_mem>>)
    %dma_start3A_8 = arith.constant 6656 : i32
    %dma_start3A_9 = tpu.memref_slice %arg6[%dma_start3A_8] : memref<13312xf32, #tpu.memory_space<vmem>> -> memref<6656xf32, #tpu.memory_space<vmem>>
    %dma_start3A_10 = arith.constant 6656 : i32
    %dma_start3A_11 = tpu.memref_slice %arg5[%dma_start3A_10] : memref<13312xi32, #tpu.memory_space<vmem>> -> memref<6656xi32, #tpu.memory_space<vmem>>
    %dma_start3A_12 = arith.constant 0 : i32
    %dma_start3A_13 = tpu.memref_slice %arg3[%dma_start3A_12] : memref<2600000xf32, #tpu.memory_space<hbm>> -> memref<2600000xf32, #tpu.memory_space<hbm>>
    tpu.enqueue_indirect_dma source(%dma_start3A_13 : memref<2600000xf32, #tpu.memory_space<hbm>>) target(%dma_start3A_9 : memref<6656xf32, #tpu.memory_space<vmem>>) offsets(%dma_start3A_11 : memref<6656xi32, #tpu.memory_space<vmem>>) semaphore(%arg9 : memref<!tpu.dma_semaphore, #tpu.memory_space<semaphore_mem>>)
    %dma_wait3A = arith.constant 0 : i32
    %dma_wait3A_14 = tpu.memref_slice %arg6[%dma_wait3A] : memref<13312xf32, #tpu.memory_space<vmem>> -> memref<6656xf32, #tpu.memory_space<vmem>>
    %dma_wait3A_15 = arith.constant 0 : i32
    %dma_wait3A_16 = tpu.memref_slice %arg5[%dma_wait3A_15] : memref<13312xi32, #tpu.memory_space<vmem>> -> memref<6656xi32, #tpu.memory_space<vmem>>
    %dma_wait3A_17 = arith.constant 0 : i32
    %dma_wait3A_18 = tpu.memref_slice %arg3[%dma_wait3A_17] : memref<2600000xf32, #tpu.memory_space<hbm>> -> memref<2600000xf32, #tpu.memory_space<hbm>>
    tpu.wait_indirect_dma semaphore(%arg8 : memref<!tpu.dma_semaphore, #tpu.memory_space<semaphore_mem>>) src(%dma_wait3A_18 : memref<2600000xf32, #tpu.memory_space<hbm>>) dst(%dma_wait3A_14 : memref<6656xf32, #tpu.memory_space<vmem>>)
    %dma_wait3A_19 = arith.constant 6656 : i32
    %dma_wait3A_20 = tpu.memref_slice %arg6[%dma_wait3A_19] : memref<13312xf32, #tpu.memory_space<vmem>> -> memref<6656xf32, #tpu.memory_space<vmem>>
    %dma_wait3A_21 = arith.constant 6656 : i32
    %dma_wait3A_22 = tpu.memref_slice %arg5[%dma_wait3A_21] : memref<13312xi32, #tpu.memory_space<vmem>> -> memref<6656xi32, #tpu.memory_space<vmem>>
    %dma_wait3A_23 = arith.constant 0 : i32
    %dma_wait3A_24 = tpu.memref_slice %arg3[%dma_wait3A_23] : memref<2600000xf32, #tpu.memory_space<hbm>> -> memref<2600000xf32, #tpu.memory_space<hbm>>
    tpu.wait_indirect_dma semaphore(%arg9 : memref<!tpu.dma_semaphore, #tpu.memory_space<semaphore_mem>>) src(%dma_wait3A_24 : memref<2600000xf32, #tpu.memory_space<hbm>>) dst(%dma_wait3A_20 : memref<6656xf32, #tpu.memory_space<vmem>>)
    %scan3A = arith.constant 0 : i32
    %scan3A_25 = arith.constant 0 : i32
    %scan3A_26 = arith.constant 32 : i32
    %scan3A_27 = arith.addi %scan3A_25, %scan3A_26 : i32
    %scan3A_28 = arith.constant 1 : i32
    scf.for %scan3A_30 = %scan3A_25 to %scan3A_27 step %scan3A_28  : i32 {
      %mul3A_31 = arith.constant 16 : i32
      %mul3A_32 = arith.muli %scan3A_30, %mul3A_31 : i32
      %get3A = arith.index_cast %mul3A_32 : i32 to index
      %get3A_33 = tpu.vector_load %arg6[%get3A] {strides = array<i32>} : memref<13312xf32, #tpu.memory_space<vmem>>, vector<16xf32>,
      %get3A_34 = vector.shape_cast %get3A_33 : vector<16xf32> to vector<16xf32>
      %mul3A_35 = arith.constant 16 : i32
      %mul3A_36 = arith.muli %scan3A_30, %mul3A_35 : i32
      %add3A_37 = arith.constant 512 : i32
      %add3A_38 = arith.addi %add3A_37, %mul3A_36 : i32
      %get3A_39 = arith.index_cast %add3A_38 : i32 to index
      %get3A_40 = tpu.vector_load %arg6[%get3A_39] {strides = array<i32>} : memref<13312xf32, #tpu.memory_space<vmem>>, vector<16xf32>,
      %get3A_41 = vector.shape_cast %get3A_40 : vector<16xf32> to vector<16xf32>
      %add3A_42 = arith.addf %get3A_34, %get3A_41 : vector<16xf32>
      %mul3A_43 = arith.constant 16 : i32
      %mul3A_44 = arith.muli %scan3A_30, %mul3A_43 : i32
      %add3A_45 = arith.constant 1024 : i32
      %add3A_46 = arith.addi %add3A_45, %mul3A_44 : i32
      %get3A_47 = arith.index_cast %add3A_46 : i32 to index
      %get3A_48 = tpu.vector_load %arg6[%get3A_47] {strides = array<i32>} : memref<13312xf32, #tpu.memory_space<vmem>>, vector<16xf32>,
      %get3A_49 = vector.shape_cast %get3A_48 : vector<16xf32> to vector<16xf32>
      %add3A_50 = arith.addf %add3A_42, %get3A_49 : vector<16xf32>
      %mul3A_51 = arith.constant 16 : i32
      %mul3A_52 = arith.muli %scan3A_30, %mul3A_51 : i32
      %add3A_53 = arith.constant 1536 : i32
      %add3A_54 = arith.addi %add3A_53, %mul3A_52 : i32
      %get3A_55 = arith.index_cast %add3A_54 : i32 to index
      %get3A_56 = tpu.vector_load %arg6[%get3A_55] {strides = array<i32>} : memref<13312xf32, #tpu.memory_space<vmem>>, vector<16xf32>,
      %get3A_57 = vector.shape_cast %get3A_56 : vector<16xf32> to vector<16xf32>
      %add3A_58 = arith.addf %add3A_50, %get3A_57 : vector<16xf32>
      %mul3A_59 = arith.constant 16 : i32
      %mul3A_60 = arith.muli %scan3A_30, %mul3A_59 : i32
      %add3A_61 = arith.constant 2048 : i32
      %add3A_62 = arith.addi %add3A_61, %mul3A_60 : i32
      %get3A_63 = arith.index_cast %add3A_62 : i32 to index
      %get3A_64 = tpu.vector_load %arg6[%get3A_63] {strides = array<i32>} : memref<13312xf32, #tpu.memory_space<vmem>>, vector<16xf32>,
      %get3A_65 = vector.shape_cast %get3A_64 : vector<16xf32> to vector<16xf32>
      %add3A_66 = arith.addf %add3A_58, %get3A_65 : vector<16xf32>
      %mul3A_67 = arith.constant 16 : i32
      %mul3A_68 = arith.muli %scan3A_30, %mul3A_67 : i32
      %add3A_69 = arith.constant 2560 : i32
      %add3A_70 = arith.addi %add3A_69, %mul3A_68 : i32
      %get3A_71 = arith.index_cast %add3A_70 : i32 to index
      %get3A_72 = tpu.vector_load %arg6[%get3A_71] {strides = array<i32>} : memref<13312xf32, #tpu.memory_space<vmem>>, vector<16xf32>,
      %get3A_73 = vector.shape_cast %get3A_72 : vector<16xf32> to vector<16xf32>
      %add3A_74 = arith.addf %add3A_66, %get3A_73 : vector<16xf32>
      %mul3A_75 = arith.constant 16 : i32
      %mul3A_76 = arith.muli %scan3A_30, %mul3A_75 : i32
      %add3A_77 = arith.constant 3072 : i32
      %add3A_78 = arith.addi %add3A_77, %mul3A_76 : i32
      %get3A_79 = arith.index_cast %add3A_78 : i32 to index
      %get3A_80 = tpu.vector_load %arg6[%get3A_79] {strides = array<i32>} : memref<13312xf32, #tpu.memory_space<vmem>>, vector<16xf32>,
      %get3A_81 = vector.shape_cast %get3A_80 : vector<16xf32> to vector<16xf32>
      %add3A_82 = arith.addf %add3A_74, %get3A_81 : vector<16xf32>
      %mul3A_83 = arith.constant 16 : i32
      %mul3A_84 = arith.muli %scan3A_30, %mul3A_83 : i32
      %add3A_85 = arith.constant 3584 : i32
      %add3A_86 = arith.addi %add3A_85, %mul3A_84 : i32
      %get3A_87 = arith.index_cast %add3A_86 : i32 to index
      %get3A_88 = tpu.vector_load %arg6[%get3A_87] {strides = array<i32>} : memref<13312xf32, #tpu.memory_space<vmem>>, vector<16xf32>,
      %get3A_89 = vector.shape_cast %get3A_88 : vector<16xf32> to vector<16xf32>
      %add3A_90 = arith.addf %add3A_82, %get3A_89 : vector<16xf32>
      %mul3A_91 = arith.constant 16 : i32
      %mul3A_92 = arith.muli %scan3A_30, %mul3A_91 : i32
      %add3A_93 = arith.constant 4096 : i32
      %add3A_94 = arith.addi %add3A_93, %mul3A_92 : i32
      %get3A_95 = arith.index_cast %add3A_94 : i32 to index
      %get3A_96 = tpu.vector_load %arg6[%get3A_95] {strides = array<i32>} : memref<13312xf32, #tpu.memory_space<vmem>>, vector<16xf32>,
      %get3A_97 = vector.shape_cast %get3A_96 : vector<16xf32> to vector<16xf32>
      %add3A_98 = arith.addf %add3A_90, %get3A_97 : vector<16xf32>
      %mul3A_99 = arith.constant 16 : i32
      %mul3A_100 = arith.muli %scan3A_30, %mul3A_99 : i32
      %add3A_101 = arith.constant 4608 : i32
      %add3A_102 = arith.addi %add3A_101, %mul3A_100 : i32
      %get3A_103 = arith.index_cast %add3A_102 : i32 to index
      %get3A_104 = tpu.vector_load %arg6[%get3A_103] {strides = array<i32>} : memref<13312xf32, #tpu.memory_space<vmem>>, vector<16xf32>,
      %get3A_105 = vector.shape_cast %get3A_104 : vector<16xf32> to vector<16xf32>
      %add3A_106 = arith.addf %add3A_98, %get3A_105 : vector<16xf32>
      %mul3A_107 = arith.constant 16 : i32
      %mul3A_108 = arith.muli %scan3A_30, %mul3A_107 : i32
      %add3A_109 = arith.constant 5120 : i32
      %add3A_110 = arith.addi %add3A_109, %mul3A_108 : i32
      %get3A_111 = arith.index_cast %add3A_110 : i32 to index
      %get3A_112 = tpu.vector_load %arg6[%get3A_111] {strides = array<i32>} : memref<13312xf32, #tpu.memory_space<vmem>>, vector<16xf32>,
      %get3A_113 = vector.shape_cast %get3A_112 : vector<16xf32> to vector<16xf32>
      %add3A_114 = arith.addf %add3A_106, %get3A_113 : vector<16xf32>
      %mul3A_115 = arith.constant 16 : i32
      %mul3A_116 = arith.muli %scan3A_30, %mul3A_115 : i32
      %add3A_117 = arith.constant 5632 : i32
      %add3A_118 = arith.addi %add3A_117, %mul3A_116 : i32
      %get3A_119 = arith.index_cast %add3A_118 : i32 to index
      %get3A_120 = tpu.vector_load %arg6[%get3A_119] {strides = array<i32>} : memref<13312xf32, #tpu.memory_space<vmem>>, vector<16xf32>,
      %get3A_121 = vector.shape_cast %get3A_120 : vector<16xf32> to vector<16xf32>
      %add3A_122 = arith.addf %add3A_114, %get3A_121 : vector<16xf32>
      %mul3A_123 = arith.constant 16 : i32
      %mul3A_124 = arith.muli %scan3A_30, %mul3A_123 : i32
      %add3A_125 = arith.constant 6144 : i32
      %add3A_126 = arith.addi %add3A_125, %mul3A_124 : i32
      %get3A_127 = arith.index_cast %add3A_126 : i32 to index
      %get3A_128 = tpu.vector_load %arg6[%get3A_127] {strides = array<i32>} : memref<13312xf32, #tpu.memory_space<vmem>>, vector<16xf32>,
      %get3A_129 = vector.shape_cast %get3A_128 : vector<16xf32> to vector<16xf32>
      %add3A_130 = arith.addf %add3A_122, %get3A_129 : vector<16xf32>
      %mul3A_131 = arith.constant 16 : i32
      %mul3A_132 = arith.muli %scan3A_30, %mul3A_131 : i32
      %add3A_133 = arith.constant 6656 : i32
      %add3A_134 = arith.addi %add3A_133, %mul3A_132 : i32
      %get3A_135 = arith.index_cast %add3A_134 : i32 to index
      %get3A_136 = tpu.vector_load %arg6[%get3A_135] {strides = array<i32>} : memref<13312xf32, #tpu.memory_space<vmem>>, vector<16xf32>,
      %get3A_137 = vector.shape_cast %get3A_136 : vector<16xf32> to vector<16xf32>
      %add3A_138 = arith.addf %add3A_130, %get3A_137 : vector<16xf32>
      %mul3A_139 = arith.constant 16 : i32
      %mul3A_140 = arith.muli %scan3A_30, %mul3A_139 : i32
      %add3A_141 = arith.constant 7168 : i32
      %add3A_142 = arith.addi %add3A_141, %mul3A_140 : i32
      %get3A_143 = arith.index_cast %add3A_142 : i32 to index
      %get3A_144 = tpu.vector_load %arg6[%get3A_143] {strides = array<i32>} : memref<13312xf32, #tpu.memory_space<vmem>>, vector<16xf32>,
      %get3A_145 = vector.shape_cast %get3A_144 : vector<16xf32> to vector<16xf32>
      %add3A_146 = arith.addf %add3A_138, %get3A_145 : vector<16xf32>
      %mul3A_147 = arith.constant 16 : i32
      %mul3A_148 = arith.muli %scan3A_30, %mul3A_147 : i32
      %add3A_149 = arith.constant 7680 : i32
      %add3A_150 = arith.addi %add3A_149, %mul3A_148 : i32
      %get3A_151 = arith.index_cast %add3A_150 : i32 to index
      %get3A_152 = tpu.vector_load %arg6[%get3A_151] {strides = array<i32>} : memref<13312xf32, #tpu.memory_space<vmem>>, vector<16xf32>,
      %get3A_153 = vector.shape_cast %get3A_152 : vector<16xf32> to vector<16xf32>
      %add3A_154 = arith.addf %add3A_146, %get3A_153 : vector<16xf32>
      %mul3A_155 = arith.constant 16 : i32
      %mul3A_156 = arith.muli %scan3A_30, %mul3A_155 : i32
      %add3A_157 = arith.constant 8192 : i32
      %add3A_158 = arith.addi %add3A_157, %mul3A_156 : i32
      %get3A_159 = arith.index_cast %add3A_158 : i32 to index
      %get3A_160 = tpu.vector_load %arg6[%get3A_159] {strides = array<i32>} : memref<13312xf32, #tpu.memory_space<vmem>>, vector<16xf32>,
      %get3A_161 = vector.shape_cast %get3A_160 : vector<16xf32> to vector<16xf32>
      %add3A_162 = arith.addf %add3A_154, %get3A_161 : vector<16xf32>
      %mul3A_163 = arith.constant 16 : i32
      %mul3A_164 = arith.muli %scan3A_30, %mul3A_163 : i32
      %add3A_165 = arith.constant 8704 : i32
      %add3A_166 = arith.addi %add3A_165, %mul3A_164 : i32
      %get3A_167 = arith.index_cast %add3A_166 : i32 to index
      %get3A_168 = tpu.vector_load %arg6[%get3A_167] {strides = array<i32>} : memref<13312xf32, #tpu.memory_space<vmem>>, vector<16xf32>,
      %get3A_169 = vector.shape_cast %get3A_168 : vector<16xf32> to vector<16xf32>
      %add3A_170 = arith.addf %add3A_162, %get3A_169 : vector<16xf32>
      %mul3A_171 = arith.constant 16 : i32
      %mul3A_172 = arith.muli %scan3A_30, %mul3A_171 : i32
      %add3A_173 = arith.constant 9216 : i32
      %add3A_174 = arith.addi %add3A_173, %mul3A_172 : i32
      %get3A_175 = arith.index_cast %add3A_174 : i32 to index
      %get3A_176 = tpu.vector_load %arg6[%get3A_175] {strides = array<i32>} : memref<13312xf32, #tpu.memory_space<vmem>>, vector<16xf32>,
      %get3A_177 = vector.shape_cast %get3A_176 : vector<16xf32> to vector<16xf32>
      %add3A_178 = arith.addf %add3A_170, %get3A_177 : vector<16xf32>
      %mul3A_179 = arith.constant 16 : i32
      %mul3A_180 = arith.muli %scan3A_30, %mul3A_179 : i32
      %add3A_181 = arith.constant 9728 : i32
      %add3A_182 = arith.addi %add3A_181, %mul3A_180 : i32
      %get3A_183 = arith.index_cast %add3A_182 : i32 to index
      %get3A_184 = tpu.vector_load %arg6[%get3A_183] {strides = array<i32>} : memref<13312xf32, #tpu.memory_space<vmem>>, vector<16xf32>,
      %get3A_185 = vector.shape_cast %get3A_184 : vector<16xf32> to vector<16xf32>
      %add3A_186 = arith.addf %add3A_178, %get3A_185 : vector<16xf32>
      %mul3A_187 = arith.constant 16 : i32
      %mul3A_188 = arith.muli %scan3A_30, %mul3A_187 : i32
      %add3A_189 = arith.constant 10240 : i32
      %add3A_190 = arith.addi %add3A_189, %mul3A_188 : i32
      %get3A_191 = arith.index_cast %add3A_190 : i32 to index
      %get3A_192 = tpu.vector_load %arg6[%get3A_191] {strides = array<i32>} : memref<13312xf32, #tpu.memory_space<vmem>>, vector<16xf32>,
      %get3A_193 = vector.shape_cast %get3A_192 : vector<16xf32> to vector<16xf32>
      %add3A_194 = arith.addf %add3A_186, %get3A_193 : vector<16xf32>
      %mul3A_195 = arith.constant 16 : i32
      %mul3A_196 = arith.muli %scan3A_30, %mul3A_195 : i32
      %add3A_197 = arith.constant 10752 : i32
      %add3A_198 = arith.addi %add3A_197, %mul3A_196 : i32
      %get3A_199 = arith.index_cast %add3A_198 : i32 to index
      %get3A_200 = tpu.vector_load %arg6[%get3A_199] {strides = array<i32>} : memref<13312xf32, #tpu.memory_space<vmem>>, vector<16xf32>,
      %get3A_201 = vector.shape_cast %get3A_200 : vector<16xf32> to vector<16xf32>
      %add3A_202 = arith.addf %add3A_194, %get3A_201 : vector<16xf32>
      %mul3A_203 = arith.constant 16 : i32
      %mul3A_204 = arith.muli %scan3A_30, %mul3A_203 : i32
      %add3A_205 = arith.constant 11264 : i32
      %add3A_206 = arith.addi %add3A_205, %mul3A_204 : i32
      %get3A_207 = arith.index_cast %add3A_206 : i32 to index
      %get3A_208 = tpu.vector_load %arg6[%get3A_207] {strides = array<i32>} : memref<13312xf32, #tpu.memory_space<vmem>>, vector<16xf32>,
      %get3A_209 = vector.shape_cast %get3A_208 : vector<16xf32> to vector<16xf32>
      %add3A_210 = arith.addf %add3A_202, %get3A_209 : vector<16xf32>
      %mul3A_211 = arith.constant 16 : i32
      %mul3A_212 = arith.muli %scan3A_30, %mul3A_211 : i32
      %add3A_213 = arith.constant 11776 : i32
      %add3A_214 = arith.addi %add3A_213, %mul3A_212 : i32
      %get3A_215 = arith.index_cast %add3A_214 : i32 to index
      %get3A_216 = tpu.vector_load %arg6[%get3A_215] {strides = array<i32>} : memref<13312xf32, #tpu.memory_space<vmem>>, vector<16xf32>,
      %get3A_217 = vector.shape_cast %get3A_216 : vector<16xf32> to vector<16xf32>
      %add3A_218 = arith.addf %add3A_210, %get3A_217 : vector<16xf32>
      %mul3A_219 = arith.constant 16 : i32
      %mul3A_220 = arith.muli %scan3A_30, %mul3A_219 : i32
      %add3A_221 = arith.constant 12288 : i32
      %add3A_222 = arith.addi %add3A_221, %mul3A_220 : i32
      %get3A_223 = arith.index_cast %add3A_222 : i32 to index
      %get3A_224 = tpu.vector_load %arg6[%get3A_223] {strides = array<i32>} : memref<13312xf32, #tpu.memory_space<vmem>>, vector<16xf32>,
      %get3A_225 = vector.shape_cast %get3A_224 : vector<16xf32> to vector<16xf32>
      %add3A_226 = arith.addf %add3A_218, %get3A_225 : vector<16xf32>
      %mul3A_227 = arith.constant 16 : i32
      %mul3A_228 = arith.muli %scan3A_30, %mul3A_227 : i32
      %add3A_229 = arith.constant 12800 : i32
      %add3A_230 = arith.addi %add3A_229, %mul3A_228 : i32
      %get3A_231 = arith.index_cast %add3A_230 : i32 to index
      %get3A_232 = tpu.vector_load %arg6[%get3A_231] {strides = array<i32>} : memref<13312xf32, #tpu.memory_space<vmem>>, vector<16xf32>,
      %get3A_233 = vector.shape_cast %get3A_232 : vector<16xf32> to vector<16xf32>
      %add3A_234 = arith.addf %add3A_226, %get3A_233 : vector<16xf32>
      %mul3A_235 = arith.constant 16 : i32
      %mul3A_236 = arith.muli %scan3A_30, %mul3A_235 : i32
      %swap3A = arith.index_cast %mul3A_236 : i32 to index
      %swap3A_237 = tpu.vector_load %arg7[%swap3A] {strides = array<i32>} : memref<512xf32, #tpu.memory_space<vmem>>, vector<16xf32>,
      %swap3A_238 = vector.shape_cast %swap3A_237 : vector<16xf32> to vector<16xf32>
      %swap3A_239 = vector.shape_cast %add3A_234 : vector<16xf32> to vector<16xf32>
      tpu.vector_store %arg7[%swap3A], %swap3A_239 {strides = array<i32>} : memref<512xf32, #tpu.memory_space<vmem>>, vector<16xf32>,
    }
    %scan3A_29 = arith.constant 32 : i32
    "tpu.region"() ({
      %run_scoped3A = tpu.sem_alloc : memref<!tpu.dma_semaphore, #tpu.memory_space<semaphore_mem>>
      %dma_start3A_30 = tpu.memref_slice %arg4[%mul3A_2] : memref<16384xf32, #tpu.memory_space<hbm>> -> memref<512xf32, #tpu.memory_space<hbm>>
      %dma_start3A_31 = tpu.memref_slice %arg4[%mul3A_2] : memref<16384xf32, #tpu.memory_space<hbm>> -> memref<512xf32, #tpu.memory_space<hbm>>
      tpu.enqueue_dma source(%arg7 : memref<512xf32, #tpu.memory_space<vmem>>) target(%dma_start3A_31 : memref<512xf32, #tpu.memory_space<hbm>>) target_semaphore(%run_scoped3A : memref<!tpu.dma_semaphore, #tpu.memory_space<semaphore_mem>>)
      %dma_wait3A_32 = tpu.memref_slice %arg4[%mul3A_2] : memref<16384xf32, #tpu.memory_space<hbm>> -> memref<512xf32, #tpu.memory_space<hbm>>
      %dma_wait3A_33 = tpu.memref_slice %arg4[%mul3A_2] : memref<16384xf32, #tpu.memory_space<hbm>> -> memref<512xf32, #tpu.memory_space<hbm>>
      tpu.wait_dma2 semaphore(%run_scoped3A : memref<!tpu.dma_semaphore, #tpu.memory_space<semaphore_mem>>) src(%arg7 : memref<512xf32, #tpu.memory_space<vmem>>) dst(%dma_wait3A_33 : memref<512xf32, #tpu.memory_space<hbm>>)
      tpu.yield
    }) : () -> ()
    return
  }
}

</mosaic_0001>

<sc_bundles>
// kernel: kernel.3.cloned.1.call-start
scs
__scs_entry_jumppad:
0x0: {  	(pc) =	sbr.rel $0x88, $3  }
0x1: {  	(tag) =	ssettag $0x0;
	lr =	simm.s32 $0x1  }
0x2: {  	[smem:$0x3F9E] =	sst lr;
	_ =	strace $0xD0000000  }
0x3: {  	_ = 	snop  }
0x4: {  	_ = 	snop  }
0x5: {  	_ = 	snop  }
0x6: {  	_ = 	snop  }
0x7: {  	_ = 	snop  }
__scs_overlays_trampoline_lowered:
0x8: {  	[smem:$0x3FAD] =	sst s0  }
0x9: {  	[smem:$0x3FAE] =	sst s1  }
0xa: {  	[smem:$0x3FAF] =	sst s2  }
0xb: {  	[smem:$0x3FB0] =	sst s3  }
0xc: {  	[smem:$0x3FB1] =	sst s4  }
0xd: {  	[smem:$0x3FB2] =	sst s5  }
0xe: {  	[smem:$0x3FB3] =	sst s6  }
0xf: {  	[smem:$0x3FB4] =	sst s7  }
0x10: {  	[smem:$0x3FB5] =	sst s8  }
0x11: {  	[smem:$0x3FB6] =	sst s9;
	s0 =	simm.s32 @!p0 $0x0  }
0x12: {  	s1 =	sld [smem:$0x3F9C];
	s0 =	simm.s32 @p0 $0x1  }
0x13: {  	[smem:$0x3FB7] =	sst s0;
	s0 =	simm.s32 @!p1 $0x0  }
0x14: {  	s2 =	sld [smem:$0x3F9B];
	s0 =	simm.s32 @p1 $0x1  }
0x15: {  	[smem:$0x3FB8] =	sst s0;
	s0 =	simm.s32 @!p2 $0x0  }
0x16: {  	s3 =	sld [smem:$0x3FDB];
	s0 =	simm.s32 @p2 $0x1  }
0x17: {  	s4 =	simm.s32 $0x1BF5;
	[smem:$0x3FBA] =	sst s0  }
0x18: {  	s0 =	sld [smem:$0x3F9D];
	_ =	swait.ge [sflag:s4], $0x0  }
0x19: {  	s7 =	sld [smem:$0x3F9E]  }
0x1a: {  	s8 =	sadd.s32 $0xFFFFE003, lr  }
0x1b: {  	s9 =	sadd.s32 $0xFFFFFEF7, lr;
	s5 =	simm.s32 $0xFFFFFFFF;
	p2 =	slt.u32 s8, $0xFFFFF086  }
0x1c: {  	p1 =	slt.u32 s9, $0xF7A;
	s5 =	simm.s32 @!p2 $0x0  }
0x1d: {  	s5 =	simm.s32 @p1 $0x1;
	p0 =	seq.s32 s7, s2  }
0x1e: {  	s7 =	smul.u32 @!p0 $0xF7A, s2;
	p2 =	seq.s32 @!p0 s5, $0x0  }
0x1f: {  	s9 =	smul.u32 $0xF7A, s1;
	s8 =	simm.s32 @!p0 $0x1BF5;
	p2 =	por !p2, p0  }
0x20: {  	[sflag:s8] =	ssyncset.s32 @!p0 $0xFFFFF086;
	s6 =	sadd.s32 @!p0 s3, s7;
	s7 =	simm.s32 @!p0 $0x108  }
0x21: {  	s3 =	sadd.s32 s3, s9;
	s6 =	sadd.s32 @!p0 $0x88, s6;
	s7 =	simm.s32 @p2 $0x1082  }
0x22: {  	[simem:s7], [sflag:s8] =	dma.local @!p0 [hbm:s6], $0xF7A  }
0x23: {  	s9 =	sor.u32 $0xD0000000, s2;
	s6 =	simm.s32 $0x108;
	_ =	swait.ge @!p0 [sflag:s8], $0x0  }
0x24: {  	s3 =	sadd.s32 $0x88, s3;
	s6 =	simm.s32 @!p1 $0x1082;
	[sflag:s4] =	ssyncset.s32 $0xFFFFF086  }
0x25: {  	[simem:s6], [sflag:s4] =	dma.local [hbm:s3], $0xF7A  }
0x26: {  	[smem:$0x3F9E] =	sst s1;
	(tag) =	ssettag s2;
	_ =	strace s9  }
0x27: {  	s1 =	sld [smem:$0x3FAE]  }
0x28: {  	s2 =	sld [smem:$0x3FAF]  }
0x29: {  	s4 =	sld [smem:$0x3FB1]  }
0x2a: {  	p0 =	seq.s32 s5, $0x0;
	s5 =	sld [smem:$0x3FB2]  }
0x2b: {  	s6 =	sld [smem:$0x3FB3]  }
0x2c: {  	s7 =	sld [smem:$0x3FB4]  }
0x2d: {  	s3 =	simm.s32 $0x108;
	s8 =	sld [smem:$0x3FB5]  }
0x2e: {  	s3 =	simm.s32 @!p0 $0x1082;
	s9 =	sld [smem:$0x3FB6]  }
0x2f: {  	lr =	sadd.s32 s0, s3;
	s0 =	sld [smem:$0x3FAD]  }
0x30: {  	s3 =	sld [smem:$0x3FB0]  }
0x31: {  	[smem:$0x3FB9] =	sst s10  }
0x32: {  	s10 =	sld [smem:$0x3FB7];
	_ =	sdelay $0x3  }
0x33: {  	p0 =	seq.s32 s10, $0x1;
	s10 =	sld [smem:$0x3FB9];
	_ =	sdelay $0x3  }
0x34: {  	[smem:$0x3FB9] =	sst s10  }
0x35: {  	s10 =	sld [smem:$0x3FB8];
	_ =	sdelay $0x3  }
0x36: {  	p1 =	seq.s32 s10, $0x1;
	s10 =	sld [smem:$0x3FB9];
	_ =	sdelay $0x3  }
0x37: {  	[smem:$0x3FB9] =	sst s10  }
0x38: {  	s10 =	sld [smem:$0x3FBA]  }
0x39: {  	_ = 	snop;
	(pc) =	sbr.ind lr, $3  }
0x3a: {  	_ = 	snop  }
0x3b: {  	_ = 	snop  }
0x3c: {  	p2 =	seq.s32 s10, $0x1;
	s10 =	sld [smem:$0x3FB9]  }
0x3d: {  	_ =	shalt  }
0x3e: {  	_ =	shalt  }
0x3f: {  	_ =	shalt  }
0x40: {  	_ =	shalt  }
0x41: {  	_ =	shalt  }
0x42: {  	_ =	shalt  }
0x43: {  	_ =	shalt  }
0x44: {  	_ =	shalt  }
0x45: {  	_ =	shalt  }
0x46: {  	_ =	shalt  }
0x47: {  	_ =	shalt  }
0x48: {  	_ =	shalt  }
0x49: {  	_ =	shalt  }
0x4a: {  	_ =	shalt  }
0x4b: {  	_ =	shalt  }
0x4c: {  	_ =	shalt  }
0x4d: {  	_ =	shalt  }
0x4e: {  	_ =	shalt  }
0x4f: {  	_ =	shalt  }
0x50: {  	_ =	shalt  }
0x51: {  	_ =	shalt  }
0x52: {  	_ =	shalt  }
0x53: {  	_ =	shalt  }
0x54: {  	_ =	shalt  }
0x55: {  	_ =	shalt  }
0x56: {  	_ =	shalt  }
0x57: {  	_ =	shalt  }
0x58: {  	_ =	shalt  }
0x59: {  	_ =	shalt  }
0x5a: {  	_ =	shalt  }
0x5b: {  	_ =	shalt  }
0x5c: {  	_ =	shalt  }
0x5d: {  	_ =	shalt  }
0x5e: {  	_ =	shalt  }
0x5f: {  	_ =	shalt  }
0x60: {  	_ =	shalt  }
0x61: {  	_ =	shalt  }
0x62: {  	_ =	shalt  }
0x63: {  	_ =	shalt  }
0x64: {  	_ =	shalt  }
0x65: {  	_ =	shalt  }
0x66: {  	_ =	shalt  }
0x67: {  	_ =	shalt  }
0x68: {  	_ =	shalt  }
0x69: {  	_ =	shalt  }
0x6a: {  	_ =	shalt  }
0x6b: {  	_ =	shalt  }
0x6c: {  	_ =	shalt  }
0x6d: {  	_ =	shalt  }
0x6e: {  	_ =	shalt  }
0x6f: {  	_ =	shalt  }
0x70: {  	_ =	shalt  }
0x71: {  	_ =	shalt  }
0x72: {  	_ =	shalt  }
0x73: {  	_ =	shalt  }
0x74: {  	_ =	shalt  }
0x75: {  	_ =	shalt  }
0x76: {  	_ =	shalt  }
0x77: {  	_ =	shalt  }
0x78: {  	_ =	shalt  }
0x79: {  	_ =	shalt  }
0x7a: {  	_ =	shalt  }
0x7b: {  	_ =	shalt  }
0x7c: {  	_ =	shalt  }
0x7d: {  	_ =	shalt  }
0x7e: {  	_ =	shalt  }
0x7f: {  	_ =	shalt  }
0x80: {  	_ =	shalt  }
0x81: {  	_ =	shalt  }
0x82: {  	_ =	shalt  }
0x83: {  	_ =	shalt  }
0x84: {  	_ =	shalt  }
0x85: {  	_ =	shalt  }
0x86: {  	_ =	shalt  }
0x87: {  	_ =	shalt  }
.Lfunc_end0:
.L_simem_size_0:
called_computation_lowered:
.L_overlay_start_0:
0x88: {  	s2 =	sld [smem:$0x3FD9]  }
0x89: {  	s3 =	sld [smem:$0x3FFE];
	_ =	sdelay $0x1  }
0x8a: {  	s1 =	srdreg.scid  }
0x8b: {  	s0 =	sand.u32 $0x1, s1  }
0x8c: {  	s17 =	sshll.u32 s0, $0xA;
	s2 =	sadd.s32 s3, s2  }
0x8d: {  	s2 =	sadd.s32 s2, s17  }
0x8e: {  	[smem:$0x3FC5] =	sst s2  }
0x8f: {  	_ = 	snop  }
0x90: {  	s2 =	sld [smem:$0x3FD0];
	(tm) =	ssettm $0x1  }
0x91: {  	s18 =	sld [smem:$0x3FFB];
	_ =	sdelay $0x3  }
0x92: {  	_ =	strace s18  }
0x93: {  	s3 =	sld [smem:$0x3FFC];
	_ =	sdelay $0x3  }
0x94: {  	_ =	strace s3  }
0x95: {  	s3 =	sld [smem:$0x3FFD];
	_ =	sdelay $0x3  }
0x96: {  	_ =	strace s3  }
0x97: {  	_ =	strace $0x8FFFFFFF  }
0x98: {  	s19 =	sld [smem:$0x3FDB];
	_ =	sdelay $0x1  }
0x99: {  	s4 =	simm.s32 $_scs_section_size  }
0x9a: {  	s5 =	simm.s32 $_size__tile_overlayer_lowered;
	s6 =	simm.s32 $_tile_overlayer_lowered  }
0x9b: {  	s22 =	simm.s32 $0x1BFF;
	s21 =	sshll.u32 s6, $0x1;
	s3 =	sadd.s32 s4, s19  }
0x9c: {  	s7 =	simm.s32 $0x0;
	s20 =	sshll.u32 s5, $0x1;
	s5 =	sadd.s32 s21, s3  }
0x9d: {  	[timem:s7], [sflag:s22] =	dma.local [hbm:s5], s20  }
0x9e: {  	_ =	swait.ge [sflag:s22], s20  }
0x9f: {  	s4 =	ssub.s32 $0x0, s20;
	[sflag:s22] =	ssyncset.done $0x0  }
0xa0: {  	[sflag:s22] =	ssyncadd.s32 s4;
	_ =	sdelay $0x1  }
0xa1: {  	s23 =	simm.s32 $0x1B8B  }
0xa2: {  	_ =	swait.ge [sflag:s23], $0x1  }
0xa3: {  	[sflag:s23] =	ssyncset.done $0x0  }
0xa4: {  	s25 =	simm.s32 $0x1B8E;
	s24 =	sld [smem:$0x3FFE];
	[sflag:s23] =	ssyncadd.s32 $0xFFFFFFFF  }
0xa5: {  	s26 =	simm.s32 $execute0_lowered;
	[smem:$0x3FD2] =	sst s25  }
0xa6: {  	s5 =	sshll.u32 s26, $0x1;
	_ =	strace $0x80000046;
	[dreg:$0x1] =	wrdreg $0xFFFFFFFF  }
0xa7: {  	s28 =	simm.s32 $_size_execute0_lowered;
	s3 =	sadd.s32 s3, s5;
	[dreg:$0x0] =	wrdreg $0x0  }
0xa8: {  	s5 =	sshll.u32 s28, $0x1;
	[dreg:$0x2] =	wrdreg s3  }
0xa9: {  	[dreg:$0x3] =	wrdreg s5  }
0xaa: {  	[dreg:$0x4] =	wrdreg $0xC0  }
0xab: {  	_ =	task [dreg:s7], $0x5FFFF  }
0xac: {  	[dreg:$0x1] =	wrdreg $0xFFFFFFFF  }
0xad: {  	[dreg:$0x0] =	wrdreg $0x60  }
0xae: {  	[dreg:$0x2] =	wrdreg s24  }
0xaf: {  	[dreg:$0x3] =	wrdreg s2  }
0xb0: {  	[dreg:$0x4] =	wrdreg $0x9  }
0xb1: {  	_ =	task.clear_ibuf [dreg:s7], $0x5FFFF;
	_ =	strace $0x90000046  }
0xb2: {  	s29 =	simm.s32 $0x9;
	_ =	strace $0x80000048  }
0xb3: {  	_ =	swait.ge [sflag:s29], $0x1  }
0xb4: {  	[sflag:s29] =	ssyncadd.s32 $0xFFFFFFFF  }
0xb5: {  	_ =	strace $0x90000048  }
0xb6: {  	_ =	sfence  }
0xb7: {  	s30 =	sld [smem:$0x0];
	_ =	sdelay $0x2  }
0xb8: {  	s31 =	sshll.u32 s1, $0xD;
	s1 =	sshrl.u32 s1, $0x2  }
0xb9: {  	s3 =	sand.u32 $0x4000, s31;
	s1 =	sadd.s32 s1, s30  }
0xba: {  	s0 =	sor.u32 s3, s0;
	s1 =	sshll.u32 s1, $0x11  }
0xbb: {  	s0 =	sor.u32 s1, s0  }
0xbc: {  	s0 =	sadd.s32 $0x8F2B, s0  }
0xbd: {  	[sflag:s0] =	ssyncadd.remote.s32 $0x1  }
0xbe: {  	_ =	sfence.sel $0xFFFF  }
0xbf: {  	[dreg:$0x0] =	wrdreg $0xFFFFFFFF;
	(pc) =	sbr.abs _section_cstart, $3  }
0xc0: {  	[dreg:$0x1] =	wrdreg $0xFFFFFFFF  }
0xc1: {  	_ =	task.clear_ibuf [dreg:s7], $0x2FFFF;
	_ =	strace $0x9FFFFFFF  }
0xc2: {  	(tm) =	ssettm $0x7FFFFFFF  }
0xc3: {  	_ =	shalt  }
tec
execute0_lowered:
.L_overlay_start_1:
0x0: {  	(tag) =	ssettag $0x1  }
0x1: {  	s1 =	srdreg.scid;
	s5 =	rddreg [dreg:$0x0]  }
0x2: {  	s0 =	stileid.u32;
	s7 =	rddreg [dreg:$0x1];
	s2 =	simm.s32 $0x0  }
0x3: {  	s10 =	simm.s32 $0x1A00;
	s11 =	simm.s32 $0x4E00;
	s12 =	simm.s32 $0x1  }
0x4: {  	s13 =	simm.s32 $0x2;
	s14 =	simm.s32 $0x6800;
	s15 =	simm.s32 $0x0  }
0x5: {  	s3 =	sand.u32 $0x1, s1;
	s26 =	sshll.u32 s0, $0x1;
	s1 =	rddreg [dreg:$0x2]  }
0x6: {  	s28 =	sshrl.u32 s0, $0x2;
	[smem:$0x7FF] =	sst s2;
	s4 =	sor.u32 s3, s26  }
0x7: {  	s6 =	smul.u32 $0x1A000, s28;
	s30 =	ssub.s32 $0x2, s3;
	s29 =	sshll.u32 s4, $0x7  }
0x8: {  	_ =	strace $0x80000047;
	s3 =	sadd.s32 $0xD200, s5;
	s8 =	sand.u32 $0x380, s29  }
0x9: {  	s9 =	sshrl.u32 s30, $0x1;
	s31 =	sshll.u32 s4, $0x6;
	s6 =	sor.u32 s6, s8  }
0xa: {  	s8 =	ssub.s32 s30, s9;
	s9 =	simm.s32 $0x3;
	s6 =	sshrl.u32 s6, $0x3  }
0xb: {  	s6 =	sadd.s32 s6, s5;
	s5 =	sadd.s32 s7, s31;
	s7 =	simm.s32 $0x80  }
0xc: {  	s4 =	sadd.s32 $0x200, s6;
	s6 =	smax.u32 s8, $0x1;
	s8 =	simm.s32 $0x400  }
.LBB2_1:
0xd: {  	[tilespmem:s2], [sflag:$0x3] =	stream.strided.gather [hbm4b:s4+s7], $0x3400, s8, s7, $0x38;
	[tilespmem:$0x6A00] =	vst v63  }
0xe: {  	_ =	swait.ge [sflag:s9], $0x3400  }
0xf: {  	[sflag:s9] =	ssyncset.done $0x0  }
0x10: {  	s16 =	simm.s32 $0x3400;
	[sflag:s9] =	ssyncadd.s32 $0xFFFFCC00  }
0x11: {  	[tilespmem:s16], [sflag:$0x1] =	stream.indirect.gather [hbm4b:s3+s10], $0x1, s2, s10, $0xb8;
	[tilespmem:$0x6A00] =	vst v63  }
0x12: {  	_ = 	snop  }
0x13: {  	[tilespmem:s11], [sflag:$0x2] =	stream.indirect.gather [hbm4b:s3+s10], $0x1, s10, s10, $0xb8;
	[tilespmem:$0x6A00] =	vst v63  }
0x14: {  	_ =	swait.ge [sflag:s12], $0x1A00  }
0x15: {  	[sflag:s12] =	ssyncset.done $0x0  }
0x16: {  	[sflag:s12] =	ssyncadd.s32 $0xFFFFE600  }
0x17: {  	_ =	swait.ge [sflag:s13], $0x1A00  }
0x18: {  	[sflag:s13] =	ssyncset.done $0x0  }
0x19: {  	s17 =	sand.u32 $0x1F0, s2;
	[sflag:s13] =	ssyncadd.s32 $0xFFFFE600  }
0x1a: {  	v0 =	vld [tilespmem:s17+$0x3600]  }
0x1b: {  	v1 =	vld [tilespmem:s16+$0x0];
	_ =	sdelay $0x1  }
0x1c: {  	v2 =	vld [tilespmem:s17+$0x3800];
	_ =	sdelay $0x1  }
0x1d: {  	v3 =	vld [tilespmem:s17+$0x3A00]  }
0x1e: {  	v0 =	vadd.f32 v0, v1  }
0x1f: {  	v1 =	vld [tilespmem:s17+$0x3C00]  }
0x20: {  	v0 =	vadd.f32 v2, v0  }
0x21: {  	v2 =	vld [tilespmem:s17+$0x3E00]  }
0x22: {  	v0 =	vadd.f32 v3, v0  }
0x23: {  	v3 =	vld [tilespmem:s17+$0x4000]  }
0x24: {  	v0 =	vadd.f32 v1, v0  }
0x25: {  	v1 =	vld [tilespmem:s17+$0x4200]  }
0x26: {  	v0 =	vadd.f32 v2, v0  }
0x27: {  	v2 =	vld [tilespmem:s17+$0x4400]  }
0x28: {  	v0 =	vadd.f32 v3, v0  }
0x29: {  	v3 =	vld [tilespmem:s17+$0x4600]  }
0x2a: {  	v0 =	vadd.f32 v1, v0  }
0x2b: {  	v1 =	vld [tilespmem:s17+$0x4800]  }
0x2c: {  	v0 =	vadd.f32 v2, v0  }
0x2d: {  	v2 =	vld [tilespmem:s17+$0x4A00]  }
0x2e: {  	v0 =	vadd.f32 v3, v0  }
0x2f: {  	v3 =	vld [tilespmem:s17+$0x4C00]  }
0x30: {  	v0 =	vadd.f32 v1, v0  }
0x31: {  	v1 =	vld [tilespmem:s17+$0x4E00]  }
0x32: {  	v0 =	vadd.f32 v2, v0  }
0x33: {  	v2 =	vld [tilespmem:s17+$0x5000]  }
0x34: {  	v0 =	vadd.f32 v3, v0  }
0x35: {  	v3 =	vld [tilespmem:s17+$0x5200]  }
0x36: {  	v0 =	vadd.f32 v1, v0  }
0x37: {  	v1 =	vld [tilespmem:s17+$0x5400]  }
0x38: {  	v0 =	vadd.f32 v2, v0  }
0x39: {  	v2 =	vld [tilespmem:s17+$0x5600]  }
0x3a: {  	v0 =	vadd.f32 v3, v0  }
0x3b: {  	v3 =	vld [tilespmem:s17+$0x5800]  }
0x3c: {  	v0 =	vadd.f32 v1, v0  }
0x3d: {  	v1 =	vld [tilespmem:s17+$0x5A00]  }
0x3e: {  	v0 =	vadd.f32 v2, v0  }
0x3f: {  	v2 =	vld [tilespmem:s17+$0x5C00]  }
0x40: {  	v0 =	vadd.f32 v3, v0  }
0x41: {  	v3 =	vld [tilespmem:s17+$0x5E00]  }
0x42: {  	v0 =	vadd.f32 v1, v0  }
0x43: {  	v1 =	vld [tilespmem:s17+$0x6000]  }
0x44: {  	v0 =	vadd.f32 v2, v0  }
0x45: {  	v2 =	vld [tilespmem:s17+$0x6200]  }
0x46: {  	v0 =	vadd.f32 v3, v0  }
0x47: {  	v3 =	vld [tilespmem:s17+$0x6400]  }
0x48: {  	v0 =	vadd.f32 v1, v0  }
0x49: {  	v1 =	vld [tilespmem:s17+$0x6600]  }
0x4a: {  	v0 =	vadd.f32 v2, v0;
	_ =	sdelay $0x1  }
0x4b: {  	v0 =	vadd.f32 v3, v0;
	_ =	sdelay $0x1  }
0x4c: {  	v0 =	vadd.f32 v1, v0  }
0x4d: {  	s31 =	simm.s32 $0x10  }
0x4e: {  	s17 =	sand.u32 $0x1F0, s31;
	[tilespmem:s14+$0x0] =	vst v0  }
0x4f: {  	s19 =	simm.s32 $0x20;
	s18 =	simm.s32 $0x3410;
	s16 =	simm.s32 $0x6800;
	v0 =	vld [tilespmem:s17+$0x3600]  }
.LBB2_2:
0x50: {  	p0 =	sne.s32 s19, $0x1F0;
	v1 =	vld [tilespmem:s18+$0x0];
	_ =	sdelay $0x1  }
0x51: {  	v2 =	vld [tilespmem:s17+$0x3800];
	_ =	sdelay $0x1  }
0x52: {  	v3 =	vld [tilespmem:s17+$0x3A00]  }
0x53: {  	v0 =	vadd.f32 v0, v1  }
0x54: {  	v1 =	vld [tilespmem:s17+$0x3C00]  }
0x55: {  	v0 =	vadd.f32 v2, v0  }
0x56: {  	v2 =	vld [tilespmem:s17+$0x3E00]  }
0x57: {  	v0 =	vadd.f32 v3, v0  }
0x58: {  	v3 =	vld [tilespmem:s17+$0x4000]  }
0x59: {  	v0 =	vadd.f32 v1, v0  }
0x5a: {  	v1 =	vld [tilespmem:s17+$0x4200]  }
0x5b: {  	v0 =	vadd.f32 v2, v0  }
0x5c: {  	v2 =	vld [tilespmem:s17+$0x4400]  }
0x5d: {  	v0 =	vadd.f32 v3, v0  }
0x5e: {  	v3 =	vld [tilespmem:s17+$0x4600]  }
0x5f: {  	v0 =	vadd.f32 v1, v0  }
0x60: {  	v1 =	vld [tilespmem:s17+$0x4800]  }
0x61: {  	v0 =	vadd.f32 v2, v0  }
0x62: {  	v2 =	vld [tilespmem:s17+$0x4A00]  }
0x63: {  	v0 =	vadd.f32 v3, v0  }
0x64: {  	v3 =	vld [tilespmem:s17+$0x4C00]  }
0x65: {  	v0 =	vadd.f32 v1, v0  }
0x66: {  	v1 =	vld [tilespmem:s17+$0x4E00]  }
0x67: {  	v0 =	vadd.f32 v2, v0  }
0x68: {  	v2 =	vld [tilespmem:s17+$0x5000]  }
0x69: {  	v0 =	vadd.f32 v3, v0  }
0x6a: {  	v3 =	vld [tilespmem:s17+$0x5200]  }
0x6b: {  	v0 =	vadd.f32 v1, v0  }
0x6c: {  	v1 =	vld [tilespmem:s17+$0x5400]  }
0x6d: {  	v0 =	vadd.f32 v2, v0  }
0x6e: {  	v2 =	vld [tilespmem:s17+$0x5600]  }
0x6f: {  	v0 =	vadd.f32 v3, v0  }
0x70: {  	v3 =	vld [tilespmem:s17+$0x5800]  }
0x71: {  	v0 =	vadd.f32 v1, v0  }
0x72: {  	v1 =	vld [tilespmem:s17+$0x5A00]  }
0x73: {  	v0 =	vadd.f32 v2, v0  }
0x74: {  	v2 =	vld [tilespmem:s17+$0x5C00]  }
0x75: {  	v0 =	vadd.f32 v3, v0  }
0x76: {  	v3 =	vld [tilespmem:s17+$0x5E00]  }
0x77: {  	v0 =	vadd.f32 v1, v0  }
0x78: {  	v1 =	vld [tilespmem:s17+$0x6000]  }
0x79: {  	v0 =	vadd.f32 v2, v0  }
0x7a: {  	v2 =	vld [tilespmem:s17+$0x6200]  }
0x7b: {  	v0 =	vadd.f32 v3, v0  }
0x7c: {  	v3 =	vld [tilespmem:s17+$0x6400]  }
0x7d: {  	v0 =	vadd.f32 v1, v0  }
0x7e: {  	v1 =	vld [tilespmem:s17+$0x6600]  }
0x7f: {  	v0 =	vadd.f32 v2, v0;
	_ =	sdelay $0x1  }
0x80: {  	v0 =	vadd.f32 v3, v0  }
.Ltmp0:
0x81: {  	(pc) =	sbr.rel @p0 .LBB2_2-.Ltmp0, $4  }
0x82: {  	v0 =	vadd.f32 v1, v0  }
0x83: {  	s16 =	sadd.s32 $0x10, s16  }
0x84: {  	s17 =	sand.u32 $0x1F0, s19;
	[tilespmem:s16+$0x0] =	vst v0  }
0x85: {  	s18 =	sadd.s32 $0x10, s18;
	s19 =	sadd.s32 $0x10, s19;
	v0 =	vld [tilespmem:s17+$0x3600]  }
0x86: {  	v1 =	vld [tilespmem:s18+$0x0];
	_ =	sdelay $0x1  }
0x87: {  	v2 =	vld [tilespmem:s17+$0x3800];
	_ =	sdelay $0x1  }
0x88: {  	v3 =	vld [tilespmem:s17+$0x3A00]  }
0x89: {  	v0 =	vadd.f32 v0, v1  }
0x8a: {  	v42 =	vld [tilespmem:s17+$0x3C00]  }
0x8b: {  	v0 =	vadd.f32 v2, v0  }
0x8c: {  	v43 =	vld [tilespmem:s17+$0x3E00]  }
0x8d: {  	v0 =	vadd.f32 v3, v0  }
0x8e: {  	v44 =	vld [tilespmem:s17+$0x4000]  }
0x8f: {  	v0 =	vadd.f32 v42, v0  }
0x90: {  	v45 =	vld [tilespmem:s17+$0x4200]  }
0x91: {  	v0 =	vadd.f32 v43, v0  }
0x92: {  	v46 =	vld [tilespmem:s17+$0x4400]  }
0x93: {  	v0 =	vadd.f32 v44, v0  }
0x94: {  	v47 =	vld [tilespmem:s17+$0x4600]  }
0x95: {  	v0 =	vadd.f32 v45, v0  }
0x96: {  	v48 =	vld [tilespmem:s17+$0x4800]  }
0x97: {  	v0 =	vadd.f32 v46, v0  }
0x98: {  	v49 =	vld [tilespmem:s17+$0x4A00]  }
0x99: {  	v0 =	vadd.f32 v47, v0  }
0x9a: {  	v50 =	vld [tilespmem:s17+$0x4C00]  }
0x9b: {  	v0 =	vadd.f32 v48, v0  }
0x9c: {  	v51 =	vld [tilespmem:s17+$0x4E00]  }
0x9d: {  	v0 =	vadd.f32 v49, v0  }
0x9e: {  	v52 =	vld [tilespmem:s17+$0x5000]  }
0x9f: {  	v0 =	vadd.f32 v50, v0  }
0xa0: {  	v53 =	vld [tilespmem:s17+$0x5200]  }
0xa1: {  	v0 =	vadd.f32 v51, v0  }
0xa2: {  	v54 =	vld [tilespmem:s17+$0x5400]  }
0xa3: {  	v0 =	vadd.f32 v52, v0  }
0xa4: {  	v55 =	vld [tilespmem:s17+$0x5600]  }
0xa5: {  	v0 =	vadd.f32 v53, v0  }
0xa6: {  	v56 =	vld [tilespmem:s17+$0x5800]  }
0xa7: {  	v0 =	vadd.f32 v54, v0  }
0xa8: {  	v57 =	vld [tilespmem:s17+$0x5A00]  }
0xa9: {  	v0 =	vadd.f32 v55, v0  }
0xaa: {  	v58 =	vld [tilespmem:s17+$0x5C00]  }
0xab: {  	v0 =	vadd.f32 v56, v0  }
0xac: {  	v59 =	vld [tilespmem:s17+$0x5E00]  }
0xad: {  	v0 =	vadd.f32 v57, v0  }
0xae: {  	v60 =	vld [tilespmem:s17+$0x6000]  }
0xaf: {  	v0 =	vadd.f32 v58, v0  }
0xb0: {  	v61 =	vld [tilespmem:s17+$0x6200]  }
0xb1: {  	v0 =	vadd.f32 v59, v0  }
0xb2: {  	v62 =	vld [tilespmem:s17+$0x6400]  }
0xb3: {  	v0 =	vadd.f32 v60, v0  }
0xb4: {  	v63 =	vld [tilespmem:s17+$0x6600]  }
0xb5: {  	v0 =	vadd.f32 v61, v0;
	_ =	sdelay $0x1  }
0xb6: {  	v0 =	vadd.f32 v62, v0;
	_ =	sdelay $0x1  }
0xb7: {  	s15 =	sadd.s32 $0x1, s15;
	v0 =	vadd.f32 v63, v0  }
0xb8: {  	s16 =	sadd.s32 $0x10, s16;
	p0 =	sne.s32 s15, s6  }
.Ltmp1:
0xb9: {  	[tilespmem:s16+$0x0] =	vst v0;
	(pc) =	sbr.rel @p0 .LBB2_1-.Ltmp1, $4  }
0xba: {  	[hbm4b:s5+s2] =	stream.linear.scatter [tilespmem:s14], [sflag:$0x3], $0x200, $0x38;
	[tilespmem:$0x6A00] =	vst v63  }
0xbb: {  	_ =	swait.ge [sflag:s9], $0x200  }
0xbc: {  	[sflag:s9] =	ssyncset.done $0x0  }
0xbd: {  	[sflag:s9] =	ssyncadd.s32 $0xFFFFFE00  }
0xbe: {  	_ =	sfence.sel $0x180000  }
0xbf: {  	[bflag:$0x0] =	sbarrier.arrive $0xFFFF  }
0xc0: {  	p0 =	sne.s32 s0, $0x0;
	_ =	strace $0x90000047  }
0xc1: {  	s0 =	sadd.s32 @!p0 $0x100000, s1;
	[bflag:$0x2] =	sbarrier.arrive $0xFFFF  }
0xc2: {  	[sflag:s0] =	ssyncadd.tile.s32 @!p0 $0x1;
	_ =	shalt  }
.Lfunc_end2:
_tile_overlayer_lowered:
.L_overlay_start_2:
0xc3: {  	(tag) =	ssettag $0x2  }
0xc4: {  	s0 =	rddreg [dreg:$0x0];
	s2 =	stileid.u32  }
0xc5: {  	s1 =	rddreg [dreg:$0x1];
	p0 =	sne.s32 s2, $0x0  }
0xc6: {  	s3 =	rddreg [dreg:$0x2];
	[bflag:$0x3] =	sbarrier.arrive $0xFFFF;
	s2 =	simm.s32 @!p0 $0x1C03  }
0xc7: {  	[timem:s3], [sflag:s2] =	dma.local @!p0 [hbm:s0], s1  }
0xc8: {  	s0 =	simm.s32 @!p0 $0x3  }
0xc9: {  	_ =	swait.ge @!p0 [sflag:s0], s1  }
0xca: {  	s1 =	ssub.s32 @!p0 $0x0, s1;
	[sflag:s0] =	ssyncset.done @!p0 $0x0  }
0xcb: {  	[sflag:s0] =	ssyncadd.s32 @!p0 s1  }
0xcc: {  	[bflag:$0x3] =	sbarrier.arrive $0xFFFF  }
0xcd: {  	_ =	shalt  }

</sc_bundles>
